<compile_context>
chip_gen: v7x
topology: tpu7x:2x2x1
jax: 0.10.2.dev20260603
libtpu: 0.0.44.dev20260713+nightly
codegen_flags: <defaults>
</compile_context>

<pallas_src>
import functools

import jax
import jax.numpy as jnp
from jax.experimental import pallas as pl
from jax.experimental.pallas import tpu as pltpu

_T = 512
_K = 2
_SB = 256


def _router_kernel(x_ref, wr_ref, br_ref, slot_ref, gate_ref, te_ref,
                   nv_ref, *, n_tiles, tile):
    N = x_ref.shape[0]
    E = wr_ref.shape[0]
    G, T = n_tiles, tile
    x = x_ref[...]
    wr = wr_ref[...]
    logits = jax.lax.dot_general(
        x, wr, (((1,), (1,)), ((), ())), preferred_element_type=jnp.float32)
    logits = logits + br_ref[...]
    m = jnp.max(logits, axis=1, keepdims=True)
    s = jnp.sum(jnp.exp(logits - m), axis=1, keepdims=True)
    gate_ref[...] = 1.0 / s
    idx = jnp.argmax(logits, axis=1).astype(jnp.int32)

    lane_e = jax.lax.broadcasted_iota(jnp.int32, (N, E), 1)
    oh = (lane_e == idx[:, None]).astype(jnp.float32)

    r = jax.lax.broadcasted_iota(jnp.int32, (N, N), 0)
    c = jax.lax.broadcasted_iota(jnp.int32, (N, N), 1)
    tri = (r > c).astype(jnp.float32)
    pos_e = jax.lax.dot_general(
        tri, oh, (((1,), (0,)), ((), ())),
        preferred_element_type=jnp.float32)
    pos = jnp.sum(oh * pos_e, axis=1, keepdims=True)

    counts = jnp.sum(oh, axis=0, keepdims=True)
    tiles_e = jnp.floor((counts + (T - 1)) * (1.0 / T))
    ue = jax.lax.broadcasted_iota(jnp.int32, (E, E), 0)
    uc = jax.lax.broadcasted_iota(jnp.int32, (E, E), 1)
    ut = (ue <= uc).astype(jnp.float32)
    cum_tiles = jax.lax.dot_general(
        tiles_e, ut, (((1,), (0,)), ((), ())),
        preferred_element_type=jnp.float32)
    tile_row_off = (cum_tiles - tiles_e) * T
    slot = jnp.sum(oh * tile_row_off, axis=1, keepdims=True) + pos
    slot_ref[...] = slot.astype(jnp.int32)

    total_tiles = jnp.sum(tiles_e)
    lane_e1 = jax.lax.broadcasted_iota(jnp.int32, (1, E), 1).astype(jnp.float32)
    last_e = jnp.max(lane_e1 * (counts > 0))
    gi = jax.lax.broadcasted_iota(jnp.int32, (G, 1), 0).astype(jnp.float32)
    te_raw = jnp.sum((cum_tiles <= gi).astype(jnp.float32),
                     axis=1, keepdims=True)
    te = jnp.minimum(te_raw, last_e)
    te_ref[...] = te.astype(jnp.int32)

    oh_te = (te == jax.lax.broadcasted_iota(jnp.int32, (G, E), 1)
             .astype(jnp.float32)).astype(jnp.float32)
    cum_te = jnp.sum(oh_te * cum_tiles, axis=1, keepdims=True)
    tiles_te = jnp.sum(oh_te * tiles_e, axis=1, keepdims=True)
    counts_te = jnp.sum(oh_te * counts, axis=1, keepdims=True)
    local_t = gi - (cum_te - tiles_te)
    nv = jnp.clip(counts_te - local_t * T, 0.0, float(T))
    nv = jnp.where(gi < total_tiles, nv, 0.0)
    nv_ref[...] = nv.astype(jnp.int32)


def _ffn_kernel(te_ref, nv_ref, xp_ref, w1_ref, b1_ref, w2_ref, b2_ref,
                out_ref, *, n_chunks, tile, sub):
    del te_ref
    i = pl.program_id(0)
    k = pl.program_id(1)
    nv = nv_ref[i]

    @pl.when(nv > 0)
    def _():
        w1 = w1_ref[0].astype(jnp.bfloat16)
        w2 = w2_ref[0].astype(jnp.bfloat16)
        for sb in range(tile // sub):
            rows = pl.ds(sb * sub, sub)

            @pl.when(sb * sub < nv)
            def _():
                xb = xp_ref[rows, :].astype(jnp.bfloat16)
                h = jax.lax.dot_general(
                    xb, w1, (((1,), (1,)), ((), ())),
                    preferred_element_type=jnp.float32)
                h = jnp.maximum(h + b1_ref[0], 0.0).astype(jnp.bfloat16)
                part = jax.lax.dot_general(
                    h, w2, (((1,), (1,)), ((), ())),
                    preferred_element_type=jnp.float32)

                @pl.when(k == 0)
                def _():
                    out_ref[rows, :] = part

                @pl.when((k > 0) & (k < n_chunks - 1))
                def _():
                    out_ref[rows, :] += part

                @pl.when((k == n_chunks - 1) & (k > 0))
                def _():
                    out_ref[rows, :] += part + b2_ref[0]


@jax.jit
def kernel(x, Wr, br, W1, b1, W2, b2):
    N, D = x.shape
    E, F, _ = W1.shape
    T, K, SB = _T, _K, _SB
    Fc = F // K
    G = N // T + E

    slot2, gate2, te2, nv2 = pl.pallas_call(
        functools.partial(_router_kernel, n_tiles=G, tile=T),
        out_shape=(
            jax.ShapeDtypeStruct((N, 1), jnp.int32),
            jax.ShapeDtypeStruct((N, 1), jnp.float32),
            jax.ShapeDtypeStruct((G, 1), jnp.int32),
            jax.ShapeDtypeStruct((G, 1), jnp.int32),
        ),
    )(x, Wr, br.reshape(1, E))
    slot = slot2[:, 0]
    te = te2[:, 0]
    nv = nv2[:, 0]

    xp = jnp.zeros((G * T, D), x.dtype).at[slot].set(x, unique_indices=True)

    def _im_x(i, k, te, nv):
        return (jnp.where(nv[i] > 0, i, 0), 0)

    def _im_w1(i, k, te, nv):
        return (te[i], jnp.where(nv[i] > 0, k, K - 1), 0)

    def _im_b1(i, k, te, nv):
        return (te[i], 0, jnp.where(nv[i] > 0, k, K - 1))

    def _im_w2(i, k, te, nv):
        return (te[i], 0, jnp.where(nv[i] > 0, k, K - 1))

    def _im_b2(i, k, te, nv):
        return (te[i], 0, 0)

    grid_spec = pltpu.PrefetchScalarGridSpec(
        num_scalar_prefetch=2,
        grid=(G, K),
        in_specs=[
            pl.BlockSpec((T, D), _im_x),
            pl.BlockSpec((1, Fc, D), _im_w1),
            pl.BlockSpec((1, 1, Fc), _im_b1),
            pl.BlockSpec((1, D, Fc), _im_w2),
            pl.BlockSpec((1, 1, D), _im_b2),
        ],
        out_specs=pl.BlockSpec((T, D), lambda i, k, te, nv: (i, 0)),
    )
    yp = pl.pallas_call(
        functools.partial(_ffn_kernel, n_chunks=K, tile=T, sub=SB),
        grid_spec=grid_spec,
        out_shape=jax.ShapeDtypeStruct((G * T, D), jnp.float32),
        compiler_params=pltpu.CompilerParams(
            vmem_limit_bytes=62 * 1024 * 1024),
    )(te, nv, xp, W1, b1.reshape(E, 1, F), W2, b2.reshape(E, 1, D))

    return yp[slot] * gate2

# --- scband reference (transcript-rebuilt; emitter-appended) ---
"""Pipeline reference for scband-mo-elayer-41721312314327 (READ-ONLY COPY).

The authoritative reference and input builder live on the scoring server;
editing this copy changes nothing except your own understanding.
"""

import jax, jax.numpy as jnp
import numpy as np

D_MODEL = 1024
D_FF = 4096
E = 8
N_TOK = 2048


def _trunc_normal(key, shape, std):
    # approximation of torch trunc_normal_(a=-2, b=2) via clipping, matching the module's fallback path
    return jnp.clip(jax.random.normal(key, shape, dtype=jnp.float32) * std, -2.0, 2.0)


def setup_inputs(seed: int = 0) -> dict:
    key = jax.random.key(seed)
    ks = jax.random.split(key, 8)
    x = jax.random.normal(ks[0], (N_TOK, D_MODEL), dtype=jnp.float32)
    std_r = 0.1 / np.sqrt(D_MODEL)
    Wr = _trunc_normal(ks[1], (E, D_MODEL), std_r)  # router weight [num_experts, d_model]
    br = jnp.zeros((E,), dtype=jnp.float32)
    std1 = 0.1 / np.sqrt(D_MODEL)
    std2 = 0.1 / np.sqrt(D_FF)
    W1 = _trunc_normal(ks[2], (E, D_FF, D_MODEL), std1)  # fc1 weights per expert
    b1 = jnp.zeros((E, D_FF), dtype=jnp.float32)
    W2 = _trunc_normal(ks[3], (E, D_MODEL, D_FF), std2)  # fc2 weights per expert
    b2 = jnp.zeros((E, D_MODEL), dtype=jnp.float32)
    return {"x": x, "Wr": Wr, "br": br, "W1": W1, "b1": b1, "W2": W2, "b2": b2}


def reference(x, Wr, br, W1, b1, W2, b2):
    # router operates in float32 (x is already float32)
    router_logits = x @ Wr.T + br                    # [N, E]
    router_probs = jax.nn.softmax(router_logits, axis=-1)
    expert_indices = jnp.argmax(router_probs, axis=-1)  # [N]
    output = jnp.zeros_like(x)
    for i in range(E):
        mask = (expert_indices == i).astype(x.dtype)[:, None]   # [N, 1]
        # FFNBlock (dropout is identity in eval/inference)
        h = jax.nn.relu(x @ W1[i].T + b1[i])                    # [N, d_ff]
        expert_output = h @ W2[i].T + b2[i]                     # [N, d_model]
        gate_value = router_probs[:, i:i + 1]                   # [N, 1]
        output = output + mask * gate_value * expert_output
    return output

if __name__ == "__main__":
    import jax
    _d = setup_inputs()
    print(jax.jit(kernel)(*tuple(_d.values())))

</pallas_src>

<mosaic_0001>
module attributes {stable_mosaic.version = 14 : i64} {
  func.func @_router_kernel(%arg0: memref<2048x1024xf32, #tpu.memory_space<vmem>>, %arg1: memref<8x1024xf32, #tpu.memory_space<vmem>>, %arg2: memref<1x8xf32, #tpu.memory_space<vmem>>, %arg3: memref<2048x1xi32, #tpu.memory_space<vmem>>, %arg4: memref<2048x1xf32, #tpu.memory_space<vmem>>, %arg5: memref<12x1xi32, #tpu.memory_space<vmem>>, %arg6: memref<12x1xi32, #tpu.memory_space<vmem>>) attributes {dimension_semantics = [], scalar_prefetch = 0 : i64, scratch_operands = 0 : i64, tpu.core_type = #tpu.core_type<tc>} {
    %get3A = arith.constant 0 : index
    %get3A_0 = arith.constant 0 : index
    %get3A_1 = vector.load %arg0[%get3A, %get3A_0] : memref<2048x1024xf32, #tpu.memory_space<vmem>>, vector<2048x1024xf32>
    %get3A_2 = arith.constant 0 : index
    %get3A_3 = arith.constant 0 : index
    %get3A_4 = vector.load %arg1[%get3A_2, %get3A_3] : memref<8x1024xf32, #tpu.memory_space<vmem>>, vector<8x1024xf32>
    %dot_general3A = arith.constant dense<0.000000e+00> : vector<2048x8xf32>
    %dot_general3A_5 = tpu.matmul %get3A_1, %get3A_4, %dot_general3A {dimension_numbers = #tpu.dot_dimension_numbers<[1], [1], [0], [0], [0, 0, 1, 0], [], []>, transpose_lhs_hint = false} : vector<2048x1024xf32>, vector<8x1024xf32>, vector<2048x8xf32> -> vector<2048x8xf32>
    %get3A_6 = arith.constant 0 : index
    %get3A_7 = arith.constant 0 : index
    %get3A_8 = vector.load %arg2[%get3A_6, %get3A_7] : memref<1x8xf32, #tpu.memory_space<vmem>>, vector<1x8xf32>
    %add3A = vector.broadcast %get3A_8 : vector<1x8xf32> to vector<2048x8xf32>
    %add3A_9 = arith.addf %dot_general3A_5, %add3A : vector<2048x8xf32>
    %reduce_max3A = arith.constant dense<0xFF800000> : vector<2048xf32>
    %reduce_max3A_10 = vector.multi_reduction <maximumf>, %add3A_9, %reduce_max3A [1] : vector<2048x8xf32> to vector<2048xf32>
    %broadcast_in_dim3A = vector.shape_cast %reduce_max3A_10 : vector<2048xf32> to vector<2048x1xf32>
    %sub3A = vector.broadcast %broadcast_in_dim3A : vector<2048x1xf32> to vector<2048x8xf32>
    %sub3A_11 = arith.subf %add3A_9, %sub3A : vector<2048x8xf32>
    %exp3A = math.exp %sub3A_11 : vector<2048x8xf32>
    %reduce_sum3A = arith.constant dense<0.000000e+00> : vector<2048xf32>
    %reduce_sum3A_12 = vector.multi_reduction <add>, %exp3A, %reduce_sum3A [1] : vector<2048x8xf32> to vector<2048xf32>
    %broadcast_in_dim3A_13 = vector.shape_cast %reduce_sum3A_12 : vector<2048xf32> to vector<2048x1xf32>
    %div3A = arith.constant 1.000000e+00 : f32
    %div3A_14 = vector.broadcast %div3A : f32 to vector<2048x1xf32>
    %div3A_15 = arith.divf %div3A_14, %broadcast_in_dim3A_13 : vector<2048x1xf32>
    %swap3A = arith.constant 0 : index
    %swap3A_16 = arith.constant 0 : index
    %swap3A_17 = vector.load %arg4[%swap3A, %swap3A_16] : memref<2048x1xf32, #tpu.memory_space<vmem>>, vector<2048x1xf32>
    tpu.vector_store %arg4[%swap3A, %swap3A_16], %div3A_15 {strides = array<i32>} : memref<2048x1xf32, #tpu.memory_space<vmem>>, vector<2048x1xf32>,
    %argmax3A = tpu.reduce_index %add3A_9 {axis = 1 : i32, kind = #tpu.reduction_kind<arg_max>} : vector<2048x8xf32> -> vector<2048xi32>
    %iota3A = tpu.iota {dimensions = array<i32: 1>} : vector<2048x8xi32>
    %broadcast_in_dim3A_18 = vector.shape_cast %argmax3A : vector<2048xi32> to vector<2048x1xi32>
    %eq3A = vector.broadcast %broadcast_in_dim3A_18 : vector<2048x1xi32> to vector<2048x8xi32>
    %eq3A_19 = arith.cmpi eq, %iota3A, %eq3A : vector<2048x8xi32>
    %convert_element_type3A = arith.extui %eq3A_19 : vector<2048x8xi1> to vector<2048x8xi32>
    %convert_element_type3A_20 = arith.sitofp %convert_element_type3A : vector<2048x8xi32> to vector<2048x8xf32>
    %iota3A_21 = tpu.iota {dimensions = array<i32: 0>} : vector<2048x2048xi32>
    %iota3A_22 = tpu.iota {dimensions = array<i32: 1>} : vector<2048x2048xi32>
    %gt3A = arith.cmpi sgt, %iota3A_21, %iota3A_22 : vector<2048x2048xi32>
    %convert_element_type3A_23 = arith.extui %gt3A : vector<2048x2048xi1> to vector<2048x2048xi32>
    %convert_element_type3A_24 = arith.sitofp %convert_element_type3A_23 : vector<2048x2048xi32> to vector<2048x2048xf32>
    %dot_general3A_25 = arith.constant dense<0.000000e+00> : vector<2048x8xf32>
    %dot_general3A_26 = tpu.matmul %convert_element_type3A_24, %convert_element_type3A_20, %dot_general3A_25 {dimension_numbers = #tpu.dot_dimension_numbers<[1], [0], [0], [1], [0, 0, 1, 1], [], []>, transpose_lhs_hint = false} : vector<2048x2048xf32>, vector<2048x8xf32>, vector<2048x8xf32> -> vector<2048x8xf32>
    %mul3A = arith.mulf %convert_element_type3A_20, %dot_general3A_26 : vector<2048x8xf32>
    %reduce_sum3A_27 = arith.constant dense<0.000000e+00> : vector<2048xf32>
    %reduce_sum3A_28 = vector.multi_reduction <add>, %mul3A, %reduce_sum3A_27 [1] : vector<2048x8xf32> to vector<2048xf32>
    %broadcast_in_dim3A_29 = vector.shape_cast %reduce_sum3A_28 : vector<2048xf32> to vector<2048x1xf32>
    %reduce_sum3A_30 = arith.constant dense<0.000000e+00> : vector<8xf32>
    %reduce_sum3A_31 = vector.multi_reduction <add>, %convert_element_type3A_20, %reduce_sum3A_30 [0] : vector<2048x8xf32> to vector<8xf32>
    %broadcast_in_dim3A_32 = vector.shape_cast %reduce_sum3A_31 : vector<8xf32> to vector<1x8xf32>
    %add3A_33 = arith.constant 5.110000e+02 : f32
    %add3A_34 = vector.broadcast %add3A_33 : f32 to vector<1x8xf32>
    %add3A_35 = arith.addf %broadcast_in_dim3A_32, %add3A_34 : vector<1x8xf32>
    %mul3A_36 = arith.constant 0.001953125 : f32
    %mul3A_37 = vector.broadcast %mul3A_36 : f32 to vector<1x8xf32>
    %mul3A_38 = arith.mulf %add3A_35, %mul3A_37 : vector<1x8xf32>
    %floor3A = math.floor %mul3A_38 : vector<1x8xf32>
    %iota3A_39 = tpu.iota {dimensions = array<i32: 0>} : vector<8x8xi32>
    %iota3A_40 = tpu.iota {dimensions = array<i32: 1>} : vector<8x8xi32>
    %le3A = arith.cmpi sle, %iota3A_39, %iota3A_40 : vector<8x8xi32>
    %convert_element_type3A_41 = arith.extui %le3A : vector<8x8xi1> to vector<8x8xi32>
    %convert_element_type3A_42 = arith.sitofp %convert_element_type3A_41 : vector<8x8xi32> to vector<8x8xf32>
    %dot_general3A_43 = arith.constant dense<0.000000e+00> : vector<1x8xf32>
    %dot_general3A_44 = tpu.matmul %floor3A, %convert_element_type3A_42, %dot_general3A_43 {dimension_numbers = #tpu.dot_dimension_numbers<[1], [0], [0], [1], [0, 0, 1, 1], [], []>, transpose_lhs_hint = false} : vector<1x8xf32>, vector<8x8xf32>, vector<1x8xf32> -> vector<1x8xf32>
    %sub3A_45 = arith.subf %dot_general3A_44, %floor3A : vector<1x8xf32>
    %mul3A_46 = arith.constant 5.120000e+02 : f32
    %mul3A_47 = vector.broadcast %mul3A_46 : f32 to vector<1x8xf32>
    %mul3A_48 = arith.mulf %sub3A_45, %mul3A_47 : vector<1x8xf32>
    %mul3A_49 = vector.broadcast %mul3A_48 : vector<1x8xf32> to vector<2048x8xf32>
    %mul3A_50 = arith.mulf %convert_element_type3A_20, %mul3A_49 : vector<2048x8xf32>
    %reduce_sum3A_51 = arith.constant dense<0.000000e+00> : vector<2048xf32>
    %reduce_sum3A_52 = vector.multi_reduction <add>, %mul3A_50, %reduce_sum3A_51 [1] : vector<2048x8xf32> to vector<2048xf32>
    %broadcast_in_dim3A_53 = vector.shape_cast %reduce_sum3A_52 : vector<2048xf32> to vector<2048x1xf32>
    %add3A_54 = arith.addf %broadcast_in_dim3A_53, %broadcast_in_dim3A_29 : vector<2048x1xf32>
    %convert_element_type3A_55 = arith.fptosi %add3A_54 : vector<2048x1xf32> to vector<2048x1xi32>
    %swap3A_56 = arith.constant 0 : index
    %swap3A_57 = arith.constant 0 : index
    %swap3A_58 = vector.load %arg3[%swap3A_56, %swap3A_57] : memref<2048x1xi32, #tpu.memory_space<vmem>>, vector<2048x1xi32>
    tpu.vector_store %arg3[%swap3A_56, %swap3A_57], %convert_element_type3A_55 {strides = array<i32>} : memref<2048x1xi32, #tpu.memory_space<vmem>>, vector<2048x1xi32>,
    %reduce_sum3A_59 = vector.shape_cast %floor3A : vector<1x8xf32> to vector<1x1x8xf32>
    %reduce_sum3A_60 = arith.constant dense<0.000000e+00> : vector<1xf32>
    %reduce_sum3A_61 = vector.multi_reduction <add>, %reduce_sum3A_59, %reduce_sum3A_60 [1, 2] : vector<1x1x8xf32> to vector<1xf32>
    %reduce_sum3A_62 = vector.shape_cast %reduce_sum3A_61 : vector<1xf32> to vector<1x1x1xf32>
    %reduce_sum3A_63 = vector.extract %reduce_sum3A_62[0, 0, 0] : f32 from vector<1x1x1xf32>
    %iota3A_64 = tpu.iota {dimensions = array<i32: 1>} : vector<1x8xi32>
    %convert_element_type3A_65 = arith.sitofp %iota3A_64 : vector<1x8xi32> to vector<1x8xf32>
    %gt3A_66 = arith.constant 0.000000e+00 : f32
    %gt3A_67 = vector.broadcast %gt3A_66 : f32 to vector<1x8xf32>
    %gt3A_68 = arith.cmpf ogt, %broadcast_in_dim3A_32, %gt3A_67 : vector<1x8xf32>
    %convert_element_type3A_69 = arith.extui %gt3A_68 : vector<1x8xi1> to vector<1x8xi32>
    %convert_element_type3A_70 = arith.sitofp %convert_element_type3A_69 : vector<1x8xi32> to vector<1x8xf32>
    %mul3A_71 = arith.mulf %convert_element_type3A_65, %convert_element_type3A_70 : vector<1x8xf32>
    %reduce_max3A_72 = vector.shape_cast %mul3A_71 : vector<1x8xf32> to vector<1x1x8xf32>
    %reduce_max3A_73 = arith.constant dense<0xFF800000> : vector<1xf32>
    %reduce_max3A_74 = vector.multi_reduction <maximumf>, %reduce_max3A_72, %reduce_max3A_73 [1, 2] : vector<1x1x8xf32> to vector<1xf32>
    %reduce_max3A_75 = vector.shape_cast %reduce_max3A_74 : vector<1xf32> to vector<1x1x1xf32>
    %reduce_max3A_76 = vector.extract %reduce_max3A_75[0, 0, 0] : f32 from vector<1x1x1xf32>
    %iota3A_77 = tpu.iota {dimensions = array<i32: 0>} : vector<12x1xi32>
    %convert_element_type3A_78 = arith.sitofp %iota3A_77 : vector<12x1xi32> to vector<12x1xf32>
    %le3A_79 = vector.broadcast %dot_general3A_44 : vector<1x8xf32> to vector<12x8xf32>
    %le3A_80 = vector.broadcast %convert_element_type3A_78 : vector<12x1xf32> to vector<12x8xf32>
    %le3A_81 = arith.cmpf ole, %le3A_79, %le3A_80 : vector<12x8xf32>
    %convert_element_type3A_82 = arith.extui %le3A_81 : vector<12x8xi1> to vector<12x8xi32>
    %convert_element_type3A_83 = arith.sitofp %convert_element_type3A_82 : vector<12x8xi32> to vector<12x8xf32>
    %reduce_sum3A_84 = arith.constant dense<0.000000e+00> : vector<12xf32>
    %reduce_sum3A_85 = vector.multi_reduction <add>, %convert_element_type3A_83, %reduce_sum3A_84 [1] : vector<12x8xf32> to vector<12xf32>
    %broadcast_in_dim3A_86 = vector.shape_cast %reduce_sum3A_85 : vector<12xf32> to vector<12x1xf32>
    %min3A = vector.broadcast %reduce_max3A_76 : f32 to vector<12x1xf32>
    %min3A_87 = arith.minimumf %broadcast_in_dim3A_86, %min3A : vector<12x1xf32>
    %convert_element_type3A_88 = arith.fptosi %min3A_87 : vector<12x1xf32> to vector<12x1xi32>
    %swap3A_89 = arith.constant 0 : index
    %swap3A_90 = arith.constant 0 : index
    %swap3A_91 = vector.load %arg5[%swap3A_89, %swap3A_90] : memref<12x1xi32, #tpu.memory_space<vmem>>, vector<12x1xi32>
    tpu.vector_store %arg5[%swap3A_89, %swap3A_90], %convert_element_type3A_88 {strides = array<i32>} : memref<12x1xi32, #tpu.memory_space<vmem>>, vector<12x1xi32>,
    %iota3A_92 = tpu.iota {dimensions = array<i32: 1>} : vector<12x8xi32>
    %convert_element_type3A_93 = arith.sitofp %iota3A_92 : vector<12x8xi32> to vector<12x8xf32>
    %eq3A_94 = vector.broadcast %min3A_87 : vector<12x1xf32> to vector<12x8xf32>
    %eq3A_95 = arith.cmpf oeq, %eq3A_94, %convert_element_type3A_93 : vector<12x8xf32>
    %convert_element_type3A_96 = arith.extui %eq3A_95 : vector<12x8xi1> to vector<12x8xi32>
    %convert_element_type3A_97 = arith.sitofp %convert_element_type3A_96 : vector<12x8xi32> to vector<12x8xf32>
    %mul3A_98 = vector.broadcast %dot_general3A_44 : vector<1x8xf32> to vector<12x8xf32>
    %mul3A_99 = arith.mulf %convert_element_type3A_97, %mul3A_98 : vector<12x8xf32>
    %reduce_sum3A_100 = arith.constant dense<0.000000e+00> : vector<12xf32>
    %reduce_sum3A_101 = vector.multi_reduction <add>, %mul3A_99, %reduce_sum3A_100 [1] : vector<12x8xf32> to vector<12xf32>
    %broadcast_in_dim3A_102 = vector.shape_cast %reduce_sum3A_101 : vector<12xf32> to vector<12x1xf32>
    %mul3A_103 = vector.broadcast %floor3A : vector<1x8xf32> to vector<12x8xf32>
    %mul3A_104 = arith.mulf %convert_element_type3A_97, %mul3A_103 : vector<12x8xf32>
    %reduce_sum3A_105 = arith.constant dense<0.000000e+00> : vector<12xf32>
    %reduce_sum3A_106 = vector.multi_reduction <add>, %mul3A_104, %reduce_sum3A_105 [1] : vector<12x8xf32> to vector<12xf32>
    %broadcast_in_dim3A_107 = vector.shape_cast %reduce_sum3A_106 : vector<12xf32> to vector<12x1xf32>
    %mul3A_108 = vector.broadcast %broadcast_in_dim3A_32 : vector<1x8xf32> to vector<12x8xf32>
    %mul3A_109 = arith.mulf %convert_element_type3A_97, %mul3A_108 : vector<12x8xf32>
    %reduce_sum3A_110 = arith.constant dense<0.000000e+00> : vector<12xf32>
    %reduce_sum3A_111 = vector.multi_reduction <add>, %mul3A_109, %reduce_sum3A_110 [1] : vector<12x8xf32> to vector<12xf32>
    %broadcast_in_dim3A_112 = vector.shape_cast %reduce_sum3A_111 : vector<12xf32> to vector<12x1xf32>
    %sub3A_113 = arith.subf %broadcast_in_dim3A_102, %broadcast_in_dim3A_107 : vector<12x1xf32>
    %sub3A_114 = arith.subf %convert_element_type3A_78, %sub3A_113 : vector<12x1xf32>
    %mul3A_115 = arith.constant 5.120000e+02 : f32
    %mul3A_116 = vector.broadcast %mul3A_115 : f32 to vector<12x1xf32>
    %mul3A_117 = arith.mulf %sub3A_114, %mul3A_116 : vector<12x1xf32>
    %sub3A_118 = arith.subf %broadcast_in_dim3A_112, %mul3A_117 : vector<12x1xf32>
    %jit3A = arith.constant 0.000000e+00 : f32
    %jit3A_119 = arith.constant 5.120000e+02 : f32
    %max3A = vector.broadcast %jit3A : f32 to vector<12x1xf32>
    %max3A_120 = arith.maximumf %max3A, %sub3A_118 : vector<12x1xf32>
    %min3A_121 = vector.broadcast %jit3A_119 : f32 to vector<12x1xf32>
    %min3A_122 = arith.minimumf %min3A_121, %max3A_120 : vector<12x1xf32>
    %lt3A = vector.broadcast %reduce_sum3A_63 : f32 to vector<12x1xf32>
    %lt3A_123 = arith.cmpf olt, %convert_element_type3A_78, %lt3A : vector<12x1xf32>
    %jit3A_124 = arith.constant 0.000000e+00 : f32
    %broadcast_in_dim3A_125 = vector.broadcast %jit3A_124 : f32 to vector<12x1xf32>
    %select_n3A = arith.select %lt3A_123, %min3A_122, %broadcast_in_dim3A_125 : vector<12x1xi1>, vector<12x1xf32>
    %convert_element_type3A_126 = arith.fptosi %select_n3A : vector<12x1xf32> to vector<12x1xi32>
    %swap3A_127 = arith.constant 0 : index
    %swap3A_128 = arith.constant 0 : index
    %swap3A_129 = vector.load %arg6[%swap3A_127, %swap3A_128] : memref<12x1xi32, #tpu.memory_space<vmem>>, vector<12x1xi32>
    tpu.vector_store %arg6[%swap3A_127, %swap3A_128], %convert_element_type3A_126 {strides = array<i32>} : memref<12x1xi32, #tpu.memory_space<vmem>>, vector<12x1xi32>,
    return
  }
}

module attributes {stable_mosaic.version = 14 : i64} {
  func.func @_ffn_kernel(%arg0: i32, %arg1: i32, %arg2: memref<12xi32, #tpu.memory_space<smem>>, %arg3: memref<12xi32, #tpu.memory_space<smem>>, %arg4: memref<512x1024xf32, #tpu.memory_space<vmem>>, %arg5: memref<1x2048x1024xf32, #tpu.memory_space<vmem>>, %arg6: memref<1x1x2048xf32, #tpu.memory_space<vmem>>, %arg7: memref<1x1024x2048xf32, #tpu.memory_space<vmem>>, %arg8: memref<1x1x1024xf32, #tpu.memory_space<vmem>>, %arg9: memref<512x1024xf32, #tpu.memory_space<vmem>>) attributes {dimension_semantics = [#tpu.dimension_semantics<arbitrary>, #tpu.dimension_semantics<arbitrary>], iteration_bounds = array<i64: 12, 2>, scalar_prefetch = 2 : i64, scratch_operands = 0 : i64, tpu.core_type = #tpu.core_type<tc>, window_params = [{transform_indices = @transform_0, window_bounds = array<i64: 512, 1024>}, {transform_indices = @transform_1, window_bounds = array<i64: 1, 2048, 1024>}, {transform_indices = @transform_2, window_bounds = array<i64: 1, 1, 2048>}, {transform_indices = @transform_3, window_bounds = array<i64: 1, 1024, 2048>}, {transform_indices = @transform_4, window_bounds = array<i64: 1, 1, 1024>}, {transform_indices = @transform_5, window_bounds = array<i64: 512, 1024>}]} {
    %get3A = arith.index_cast %arg0 : i32 to index
    %get3A_0 = memref.load %arg3[%get3A] : memref<12xi32, #tpu.memory_space<smem>>
    %gt3A = arith.constant 0 : i32
    %gt3A_1 = arith.cmpi sgt, %get3A_0, %gt3A : i32
    %convert_element_type3A = arith.extui %gt3A_1 : i1 to i32
    %cond3A = arith.constant 0 : i32
    %cond3A_2 = arith.cmpi ne, %convert_element_type3A, %cond3A : i32
    scf.if %cond3A_2 {
      %get3A_3 = arith.constant 0 : index
      %get3A_4 = arith.constant 0 : index
      %get3A_5 = arith.constant 0 : index
      %get3A_6 = vector.load %arg5[%get3A_3, %get3A_4, %get3A_5] : memref<1x2048x1024xf32, #tpu.memory_space<vmem>>, vector<1x2048x1024xf32>
      %get3A_7 = vector.shape_cast %get3A_6 : vector<1x2048x1024xf32> to vector<2048x1024xf32>
      %convert_element_type3A_8 = arith.truncf %get3A_7 : vector<2048x1024xf32> to vector<2048x1024xbf16>
      %get3A_9 = arith.constant 0 : index
      %get3A_10 = arith.constant 0 : index
      %get3A_11 = arith.constant 0 : index
      %get3A_12 = vector.load %arg7[%get3A_9, %get3A_10, %get3A_11] : memref<1x1024x2048xf32, #tpu.memory_space<vmem>>, vector<1x1024x2048xf32>
      %get3A_13 = vector.shape_cast %get3A_12 : vector<1x1024x2048xf32> to vector<1024x2048xf32>
      %convert_element_type3A_14 = arith.truncf %get3A_13 : vector<1024x2048xf32> to vector<1024x2048xbf16>
      %gt3A_15 = arith.constant 0 : i32
      %gt3A_16 = arith.cmpi sgt, %get3A_0, %gt3A_15 : i32
      %convert_element_type3A_17 = arith.extui %gt3A_16 : i1 to i32
      %cond3A_18 = arith.constant 0 : i32
      %cond3A_19 = arith.cmpi ne, %convert_element_type3A_17, %cond3A_18 : i32
      scf.if %cond3A_19 {
        %get3A_25 = arith.constant 0 : index
        %get3A_26 = arith.constant 0 : index
        %get3A_27 = vector.load %arg4[%get3A_25, %get3A_26] : memref<512x1024xf32, #tpu.memory_space<vmem>>, vector<256x1024xf32>
        %convert_element_type3A_28 = arith.truncf %get3A_27 : vector<256x1024xf32> to vector<256x1024xbf16>
        %dot_general3A = arith.constant dense<0.000000e+00> : vector<256x2048xf32>
        %dot_general3A_29 = tpu.matmul %convert_element_type3A_28, %convert_element_type3A_8, %dot_general3A {dimension_numbers = #tpu.dot_dimension_numbers<[1], [1], [0], [0], [0, 0, 1, 0], [], []>, transpose_lhs_hint = false} : vector<256x1024xbf16>, vector<2048x1024xbf16>, vector<256x2048xf32> -> vector<256x2048xf32>
        %get3A_30 = arith.constant 0 : index
        %get3A_31 = arith.constant 0 : index
        %get3A_32 = arith.constant 0 : index
        %get3A_33 = vector.load %arg6[%get3A_30, %get3A_31, %get3A_32] : memref<1x1x2048xf32, #tpu.memory_space<vmem>>, vector<1x1x2048xf32>
        %get3A_34 = vector.shape_cast %get3A_33 : vector<1x1x2048xf32> to vector<1x2048xf32>
        %add3A = vector.broadcast %get3A_34 : vector<1x2048xf32> to vector<256x2048xf32>
        %add3A_35 = arith.addf %dot_general3A_29, %add3A : vector<256x2048xf32>
        %max3A = arith.constant 0.000000e+00 : f32
        %max3A_36 = vector.broadcast %max3A : f32 to vector<256x2048xf32>
        %max3A_37 = arith.maximumf %add3A_35, %max3A_36 : vector<256x2048xf32>
        %convert_element_type3A_38 = arith.truncf %max3A_37 : vector<256x2048xf32> to vector<256x2048xbf16>
        %dot_general3A_39 = arith.constant dense<0.000000e+00> : vector<256x1024xf32>
        %dot_general3A_40 = tpu.matmul %convert_element_type3A_38, %convert_element_type3A_14, %dot_general3A_39 {dimension_numbers = #tpu.dot_dimension_numbers<[1], [1], [0], [0], [0, 0, 1, 0], [], []>, transpose_lhs_hint = false} : vector<256x2048xbf16>, vector<1024x2048xbf16>, vector<256x1024xf32> -> vector<256x1024xf32>
        %eq3A = arith.constant 0 : i32
        %eq3A_41 = arith.cmpi eq, %arg1, %eq3A : i32
        %convert_element_type3A_42 = arith.extui %eq3A_41 : i1 to i32
        %cond3A_43 = arith.constant 0 : i32
        %cond3A_44 = arith.cmpi ne, %convert_element_type3A_42, %cond3A_43 : i32
        scf.if %cond3A_44 {
          %swap3A = arith.constant 0 : index
          %swap3A_59 = arith.constant 0 : index
          %swap3A_60 = vector.load %arg9[%swap3A, %swap3A_59] : memref<512x1024xf32, #tpu.memory_space<vmem>>, vector<256x1024xf32>
          tpu.vector_store %arg9[%swap3A, %swap3A_59], %dot_general3A_40 {strides = array<i32>} : memref<512x1024xf32, #tpu.memory_space<vmem>>, vector<256x1024xf32>,
        } else {
        }
        %gt3A_45 = arith.constant 0 : i32
        %gt3A_46 = arith.cmpi sgt, %arg1, %gt3A_45 : i32
        %lt3A = arith.constant 1 : i32
        %lt3A_47 = arith.cmpi slt, %arg1, %lt3A : i32
        %and3A = arith.andi %gt3A_46, %lt3A_47 : i1
        %convert_element_type3A_48 = arith.extui %and3A : i1 to i32
        %cond3A_49 = arith.constant 0 : i32
        %cond3A_50 = arith.cmpi ne, %convert_element_type3A_48, %cond3A_49 : i32
        scf.if %cond3A_50 {
          %get3A_59 = arith.constant 0 : index
          %get3A_60 = arith.constant 0 : index
          %get3A_61 = vector.load %arg9[%get3A_59, %get3A_60] : memref<512x1024xf32, #tpu.memory_space<vmem>>, vector<256x1024xf32>
          %add3A_62 = arith.addf %get3A_61, %dot_general3A_40 : vector<256x1024xf32>
          %swap3A = arith.constant 0 : index
          %swap3A_63 = arith.constant 0 : index
          %swap3A_64 = vector.load %arg9[%swap3A, %swap3A_63] : memref<512x1024xf32, #tpu.memory_space<vmem>>, vector<256x1024xf32>
          tpu.vector_store %arg9[%swap3A, %swap3A_63], %add3A_62 {strides = array<i32>} : memref<512x1024xf32, #tpu.memory_space<vmem>>, vector<256x1024xf32>,
        } else {
        }
        %eq3A_51 = arith.constant 1 : i32
        %eq3A_52 = arith.cmpi eq, %arg1, %eq3A_51 : i32
        %gt3A_53 = arith.constant 0 : i32
        %gt3A_54 = arith.cmpi sgt, %arg1, %gt3A_53 : i32
        %and3A_55 = arith.andi %eq3A_52, %gt3A_54 : i1
        %convert_element_type3A_56 = arith.extui %and3A_55 : i1 to i32
        %cond3A_57 = arith.constant 0 : i32
        %cond3A_58 = arith.cmpi ne, %convert_element_type3A_56, %cond3A_57 : i32
        scf.if %cond3A_58 {
          %get3A_59 = arith.constant 0 : index
          %get3A_60 = arith.constant 0 : index
          %get3A_61 = vector.load %arg9[%get3A_59, %get3A_60] : memref<512x1024xf32, #tpu.memory_space<vmem>>, vector<256x1024xf32>
          %get3A_62 = arith.constant 0 : index
          %get3A_63 = arith.constant 0 : index
          %get3A_64 = arith.constant 0 : index
          %get3A_65 = vector.load %arg8[%get3A_62, %get3A_63, %get3A_64] : memref<1x1x1024xf32, #tpu.memory_space<vmem>>, vector<1x1x1024xf32>
          %get3A_66 = vector.shape_cast %get3A_65 : vector<1x1x1024xf32> to vector<1x1024xf32>
          %add3A_67 = vector.broadcast %get3A_66 : vector<1x1024xf32> to vector<256x1024xf32>
          %add3A_68 = arith.addf %dot_general3A_40, %add3A_67 : vector<256x1024xf32>
          %add3A_69 = arith.addf %get3A_61, %add3A_68 : vector<256x1024xf32>
          %swap3A = arith.constant 0 : index
          %swap3A_70 = arith.constant 0 : index
          %swap3A_71 = vector.load %arg9[%swap3A, %swap3A_70] : memref<512x1024xf32, #tpu.memory_space<vmem>>, vector<256x1024xf32>
          tpu.vector_store %arg9[%swap3A, %swap3A_70], %add3A_69 {strides = array<i32>} : memref<512x1024xf32, #tpu.memory_space<vmem>>, vector<256x1024xf32>,
        } else {
        }
      } else {
      }
      %gt3A_20 = arith.constant 256 : i32
      %gt3A_21 = arith.cmpi sgt, %get3A_0, %gt3A_20 : i32
      %convert_element_type3A_22 = arith.extui %gt3A_21 : i1 to i32
      %cond3A_23 = arith.constant 0 : i32
      %cond3A_24 = arith.cmpi ne, %convert_element_type3A_22, %cond3A_23 : i32
      scf.if %cond3A_24 {
        %get3A_25 = arith.constant 256 : index
        %get3A_26 = arith.constant 0 : index
        %get3A_27 = vector.load %arg4[%get3A_25, %get3A_26] : memref<512x1024xf32, #tpu.memory_space<vmem>>, vector<256x1024xf32>
        %convert_element_type3A_28 = arith.truncf %get3A_27 : vector<256x1024xf32> to vector<256x1024xbf16>
        %dot_general3A = arith.constant dense<0.000000e+00> : vector<256x2048xf32>
        %dot_general3A_29 = tpu.matmul %convert_element_type3A_28, %convert_element_type3A_8, %dot_general3A {dimension_numbers = #tpu.dot_dimension_numbers<[1], [1], [0], [0], [0, 0, 1, 0], [], []>, transpose_lhs_hint = false} : vector<256x1024xbf16>, vector<2048x1024xbf16>, vector<256x2048xf32> -> vector<256x2048xf32>
        %get3A_30 = arith.constant 0 : index
        %get3A_31 = arith.constant 0 : index
        %get3A_32 = arith.constant 0 : index
        %get3A_33 = vector.load %arg6[%get3A_30, %get3A_31, %get3A_32] : memref<1x1x2048xf32, #tpu.memory_space<vmem>>, vector<1x1x2048xf32>
        %get3A_34 = vector.shape_cast %get3A_33 : vector<1x1x2048xf32> to vector<1x2048xf32>
        %add3A = vector.broadcast %get3A_34 : vector<1x2048xf32> to vector<256x2048xf32>
        %add3A_35 = arith.addf %dot_general3A_29, %add3A : vector<256x2048xf32>
        %max3A = arith.constant 0.000000e+00 : f32
        %max3A_36 = vector.broadcast %max3A : f32 to vector<256x2048xf32>
        %max3A_37 = arith.maximumf %add3A_35, %max3A_36 : vector<256x2048xf32>
        %convert_element_type3A_38 = arith.truncf %max3A_37 : vector<256x2048xf32> to vector<256x2048xbf16>
        %dot_general3A_39 = arith.constant dense<0.000000e+00> : vector<256x1024xf32>
        %dot_general3A_40 = tpu.matmul %convert_element_type3A_38, %convert_element_type3A_14, %dot_general3A_39 {dimension_numbers = #tpu.dot_dimension_numbers<[1], [1], [0], [0], [0, 0, 1, 0], [], []>, transpose_lhs_hint = false} : vector<256x2048xbf16>, vector<1024x2048xbf16>, vector<256x1024xf32> -> vector<256x1024xf32>
        %eq3A = arith.constant 0 : i32
        %eq3A_41 = arith.cmpi eq, %arg1, %eq3A : i32
        %convert_element_type3A_42 = arith.extui %eq3A_41 : i1 to i32
        %cond3A_43 = arith.constant 0 : i32
        %cond3A_44 = arith.cmpi ne, %convert_element_type3A_42, %cond3A_43 : i32
        scf.if %cond3A_44 {
          %swap3A = arith.constant 256 : index
          %swap3A_59 = arith.constant 0 : index
          %swap3A_60 = vector.load %arg9[%swap3A, %swap3A_59] : memref<512x1024xf32, #tpu.memory_space<vmem>>, vector<256x1024xf32>
          tpu.vector_store %arg9[%swap3A, %swap3A_59], %dot_general3A_40 {strides = array<i32>} : memref<512x1024xf32, #tpu.memory_space<vmem>>, vector<256x1024xf32>,
        } else {
        }
        %gt3A_45 = arith.constant 0 : i32
        %gt3A_46 = arith.cmpi sgt, %arg1, %gt3A_45 : i32
        %lt3A = arith.constant 1 : i32
        %lt3A_47 = arith.cmpi slt, %arg1, %lt3A : i32
        %and3A = arith.andi %gt3A_46, %lt3A_47 : i1
        %convert_element_type3A_48 = arith.extui %and3A : i1 to i32
        %cond3A_49 = arith.constant 0 : i32
        %cond3A_50 = arith.cmpi ne, %convert_element_type3A_48, %cond3A_49 : i32
        scf.if %cond3A_50 {
          %get3A_59 = arith.constant 256 : index
          %get3A_60 = arith.constant 0 : index
          %get3A_61 = vector.load %arg9[%get3A_59, %get3A_60] : memref<512x1024xf32, #tpu.memory_space<vmem>>, vector<256x1024xf32>
          %add3A_62 = arith.addf %get3A_61, %dot_general3A_40 : vector<256x1024xf32>
          %swap3A = arith.constant 256 : index
          %swap3A_63 = arith.constant 0 : index
          %swap3A_64 = vector.load %arg9[%swap3A, %swap3A_63] : memref<512x1024xf32, #tpu.memory_space<vmem>>, vector<256x1024xf32>
          tpu.vector_store %arg9[%swap3A, %swap3A_63], %add3A_62 {strides = array<i32>} : memref<512x1024xf32, #tpu.memory_space<vmem>>, vector<256x1024xf32>,
        } else {
        }
        %eq3A_51 = arith.constant 1 : i32
        %eq3A_52 = arith.cmpi eq, %arg1, %eq3A_51 : i32
        %gt3A_53 = arith.constant 0 : i32
        %gt3A_54 = arith.cmpi sgt, %arg1, %gt3A_53 : i32
        %and3A_55 = arith.andi %eq3A_52, %gt3A_54 : i1
        %convert_element_type3A_56 = arith.extui %and3A_55 : i1 to i32
        %cond3A_57 = arith.constant 0 : i32
        %cond3A_58 = arith.cmpi ne, %convert_element_type3A_56, %cond3A_57 : i32
        scf.if %cond3A_58 {
          %get3A_59 = arith.constant 256 : index
          %get3A_60 = arith.constant 0 : index
          %get3A_61 = vector.load %arg9[%get3A_59, %get3A_60] : memref<512x1024xf32, #tpu.memory_space<vmem>>, vector<256x1024xf32>
          %get3A_62 = arith.constant 0 : index
          %get3A_63 = arith.constant 0 : index
          %get3A_64 = arith.constant 0 : index
          %get3A_65 = vector.load %arg8[%get3A_62, %get3A_63, %get3A_64] : memref<1x1x1024xf32, #tpu.memory_space<vmem>>, vector<1x1x1024xf32>
          %get3A_66 = vector.shape_cast %get3A_65 : vector<1x1x1024xf32> to vector<1x1024xf32>
          %add3A_67 = vector.broadcast %get3A_66 : vector<1x1024xf32> to vector<256x1024xf32>
          %add3A_68 = arith.addf %dot_general3A_40, %add3A_67 : vector<256x1024xf32>
          %add3A_69 = arith.addf %get3A_61, %add3A_68 : vector<256x1024xf32>
          %swap3A = arith.constant 256 : index
          %swap3A_70 = arith.constant 0 : index
          %swap3A_71 = vector.load %arg9[%swap3A, %swap3A_70] : memref<512x1024xf32, #tpu.memory_space<vmem>>, vector<256x1024xf32>
          tpu.vector_store %arg9[%swap3A, %swap3A_70], %add3A_69 {strides = array<i32>} : memref<512x1024xf32, #tpu.memory_space<vmem>>, vector<256x1024xf32>,
        } else {
        }
      } else {
      }
    } else {
    }
    return
  }
  func.func @transform_0(%arg0: i32, %arg1: i32, %arg2: memref<12xi32, #tpu.memory_space<smem>>, %arg3: memref<12xi32, #tpu.memory_space<smem>>) -> (i32, i32) {
    %get3A = arith.index_cast %arg0 : i32 to index
    %get3A_0 = memref.load %arg3[%get3A] : memref<12xi32, #tpu.memory_space<smem>>
    %gt3A = arith.constant 0 : i32
    %gt3A_1 = arith.cmpi sgt, %get3A_0, %gt3A : i32
    %jit3A = arith.constant 0 : i32
    %select_n3A = arith.select %gt3A_1, %arg0, %jit3A : i32
    %c0_i32 = arith.constant 0 : i32
    %c0_i32_2 = arith.constant 0 : i32
    return %select_n3A, %c0_i32 : i32, i32
  }
  func.func @transform_1(%arg0: i32, %arg1: i32, %arg2: memref<12xi32, #tpu.memory_space<smem>>, %arg3: memref<12xi32, #tpu.memory_space<smem>>) -> (i32, i32, i32) {
    %get3A = arith.index_cast %arg0 : i32 to index
    %get3A_0 = memref.load %arg2[%get3A] : memref<12xi32, #tpu.memory_space<smem>>
    %get3A_1 = arith.index_cast %arg0 : i32 to index
    %get3A_2 = memref.load %arg3[%get3A_1] : memref<12xi32, #tpu.memory_space<smem>>
    %gt3A = arith.constant 0 : i32
    %gt3A_3 = arith.cmpi sgt, %get3A_2, %gt3A : i32
    %jit3A = arith.constant 1 : i32
    %select_n3A = arith.select %gt3A_3, %arg1, %jit3A : i32
    %c0_i32 = arith.constant 0 : i32
    %c0_i32_4 = arith.constant 0 : i32
    return %get3A_0, %select_n3A, %c0_i32 : i32, i32, i32
  }
  func.func @transform_2(%arg0: i32, %arg1: i32, %arg2: memref<12xi32, #tpu.memory_space<smem>>, %arg3: memref<12xi32, #tpu.memory_space<smem>>) -> (i32, i32, i32) {
    %get3A = arith.index_cast %arg0 : i32 to index
    %get3A_0 = memref.load %arg2[%get3A] : memref<12xi32, #tpu.memory_space<smem>>
    %get3A_1 = arith.index_cast %arg0 : i32 to index
    %get3A_2 = memref.load %arg3[%get3A_1] : memref<12xi32, #tpu.memory_space<smem>>
    %gt3A = arith.constant 0 : i32
    %gt3A_3 = arith.cmpi sgt, %get3A_2, %gt3A : i32
    %jit3A = arith.constant 1 : i32
    %select_n3A = arith.select %gt3A_3, %arg1, %jit3A : i32
    %c0_i32 = arith.constant 0 : i32
    %c0_i32_4 = arith.constant 0 : i32
    return %get3A_0, %c0_i32, %select_n3A : i32, i32, i32
  }
  func.func @transform_3(%arg0: i32, %arg1: i32, %arg2: memref<12xi32, #tpu.memory_space<smem>>, %arg3: memref<12xi32, #tpu.memory_space<smem>>) -> (i32, i32, i32) {
    %get3A = arith.index_cast %arg0 : i32 to index
    %get3A_0 = memref.load %arg2[%get3A] : memref<12xi32, #tpu.memory_space<smem>>
    %get3A_1 = arith.index_cast %arg0 : i32 to index
    %get3A_2 = memref.load %arg3[%get3A_1] : memref<12xi32, #tpu.memory_space<smem>>
    %gt3A = arith.constant 0 : i32
    %gt3A_3 = arith.cmpi sgt, %get3A_2, %gt3A : i32
    %jit3A = arith.constant 1 : i32
    %select_n3A = arith.select %gt3A_3, %arg1, %jit3A : i32
    %c0_i32 = arith.constant 0 : i32
    %c0_i32_4 = arith.constant 0 : i32
    return %get3A_0, %c0_i32, %select_n3A : i32, i32, i32
  }
  func.func @transform_4(%arg0: i32, %arg1: i32, %arg2: memref<12xi32, #tpu.memory_space<smem>>, %arg3: memref<12xi32, #tpu.memory_space<smem>>) -> (i32, i32, i32) {
    %get3A = arith.index_cast %arg0 : i32 to index
    %get3A_0 = memref.load %arg2[%get3A] : memref<12xi32, #tpu.memory_space<smem>>
    %c0_i32 = arith.constant 0 : i32
    %c0_i32_1 = arith.constant 0 : i32
    %c0_i32_2 = arith.constant 0 : i32
    return %get3A_0, %c0_i32, %c0_i32_1 : i32, i32, i32
  }
  func.func @transform_5(%arg0: i32, %arg1: i32, %arg2: memref<12xi32, #tpu.memory_space<smem>>, %arg3: memref<12xi32, #tpu.memory_space<smem>>) -> (i32, i32) {
    %c0_i32 = arith.constant 0 : i32
    %c0_i32_0 = arith.constant 0 : i32
    return %arg0, %c0_i32 : i32, i32
  }
}

</mosaic_0001>

<sc_bundles>
// kernel: gather_offload_async_start
scs
__scs_entry_jumppad:
0x0: {  	(pc) =	sbr.rel $0x88, $3  }
0x1: {  	(tag) =	ssettag $0x0;
	lr =	simm.s32 $0x1  }
0x2: {  	[smem:$0x3F9A] =	sst lr;
	_ =	strace $0xD0000000  }
0x3: {  	_ = 	snop  }
0x4: {  	_ = 	snop  }
0x5: {  	_ = 	snop  }
0x6: {  	_ = 	snop  }
0x7: {  	_ = 	snop  }
__scs_overlays_trampoline_lowered:
0x8: {  	[smem:$0x3FA9] =	sst s0  }
0x9: {  	[smem:$0x3FAA] =	sst s1  }
0xa: {  	[smem:$0x3FAB] =	sst s2  }
0xb: {  	[smem:$0x3FAC] =	sst s3  }
0xc: {  	[smem:$0x3FAD] =	sst s4  }
0xd: {  	[smem:$0x3FAE] =	sst s5  }
0xe: {  	[smem:$0x3FAF] =	sst s6  }
0xf: {  	[smem:$0x3FB0] =	sst s7  }
0x10: {  	[smem:$0x3FB1] =	sst s8  }
0x11: {  	[smem:$0x3FB2] =	sst s9;
	s0 =	simm.s32 @!p0 $0x0  }
0x12: {  	s1 =	sld [smem:$0x3F98];
	s0 =	simm.s32 @p0 $0x1  }
0x13: {  	[smem:$0x3FB3] =	sst s0;
	s0 =	simm.s32 @!p1 $0x0  }
0x14: {  	s2 =	sld [smem:$0x3F97];
	s0 =	simm.s32 @p1 $0x1  }
0x15: {  	[smem:$0x3FB4] =	sst s0;
	s0 =	simm.s32 @!p2 $0x0  }
0x16: {  	s3 =	sld [smem:$0x3FDB];
	s0 =	simm.s32 @p2 $0x1  }
0x17: {  	s4 =	simm.s32 $0x1BF5;
	[smem:$0x3FB6] =	sst s0  }
0x18: {  	s0 =	sld [smem:$0x3F99];
	_ =	swait.ge [sflag:s4], $0x0  }
0x19: {  	s7 =	sld [smem:$0x3F9A]  }
0x1a: {  	s8 =	sadd.s32 $0xFFFFE003, lr  }
0x1b: {  	s9 =	sadd.s32 $0xFFFFFEF7, lr;
	s5 =	simm.s32 $0xFFFFFFFF;
	p2 =	slt.u32 s8, $0xFFFFF086  }
0x1c: {  	p1 =	slt.u32 s9, $0xF7A;
	s5 =	simm.s32 @!p2 $0x0  }
0x1d: {  	s5 =	simm.s32 @p1 $0x1;
	p0 =	seq.s32 s7, s2  }
0x1e: {  	s7 =	smul.u32 @!p0 $0xF7A, s2;
	p2 =	seq.s32 @!p0 s5, $0x0  }
0x1f: {  	s9 =	smul.u32 $0xF7A, s1;
	s8 =	simm.s32 @!p0 $0x1BF5;
	p2 =	por !p2, p0  }
0x20: {  	[sflag:s8] =	ssyncset.s32 @!p0 $0xFFFFF086;
	s6 =	sadd.s32 @!p0 s3, s7;
	s7 =	simm.s32 @!p0 $0x108  }
0x21: {  	s3 =	sadd.s32 s3, s9;
	s6 =	sadd.s32 @!p0 $0x88, s6;
	s7 =	simm.s32 @p2 $0x1082  }
0x22: {  	[simem:s7], [sflag:s8] =	dma.local @!p0 [hbm:s6], $0xF7A  }
0x23: {  	s9 =	sor.u32 $0xD0000000, s2;
	s6 =	simm.s32 $0x108;
	_ =	swait.ge @!p0 [sflag:s8], $0x0  }
0x24: {  	s3 =	sadd.s32 $0x88, s3;
	s6 =	simm.s32 @!p1 $0x1082;
	[sflag:s4] =	ssyncset.s32 $0xFFFFF086  }
0x25: {  	[simem:s6], [sflag:s4] =	dma.local [hbm:s3], $0xF7A  }
0x26: {  	[smem:$0x3F9A] =	sst s1;
	(tag) =	ssettag s2;
	_ =	strace s9  }
0x27: {  	s1 =	sld [smem:$0x3FAA]  }
0x28: {  	s2 =	sld [smem:$0x3FAB]  }
0x29: {  	s4 =	sld [smem:$0x3FAD]  }
0x2a: {  	p0 =	seq.s32 s5, $0x0;
	s5 =	sld [smem:$0x3FAE]  }
0x2b: {  	s6 =	sld [smem:$0x3FAF]  }
0x2c: {  	s7 =	sld [smem:$0x3FB0]  }
0x2d: {  	s3 =	simm.s32 $0x108;
	s8 =	sld [smem:$0x3FB1]  }
0x2e: {  	s3 =	simm.s32 @!p0 $0x1082;
	s9 =	sld [smem:$0x3FB2]  }
0x2f: {  	lr =	sadd.s32 s0, s3;
	s0 =	sld [smem:$0x3FA9]  }
0x30: {  	s3 =	sld [smem:$0x3FAC]  }
0x31: {  	[smem:$0x3FB5] =	sst s10  }
0x32: {  	s10 =	sld [smem:$0x3FB3];
	_ =	sdelay $0x3  }
0x33: {  	p0 =	seq.s32 s10, $0x1;
	s10 =	sld [smem:$0x3FB5];
	_ =	sdelay $0x3  }
0x34: {  	[smem:$0x3FB5] =	sst s10  }
0x35: {  	s10 =	sld [smem:$0x3FB4];
	_ =	sdelay $0x3  }
0x36: {  	p1 =	seq.s32 s10, $0x1;
	s10 =	sld [smem:$0x3FB5];
	_ =	sdelay $0x3  }
0x37: {  	[smem:$0x3FB5] =	sst s10  }
0x38: {  	s10 =	sld [smem:$0x3FB6]  }
0x39: {  	_ = 	snop;
	(pc) =	sbr.ind lr, $3  }
0x3a: {  	_ = 	snop  }
0x3b: {  	_ = 	snop  }
0x3c: {  	p2 =	seq.s32 s10, $0x1;
	s10 =	sld [smem:$0x3FB5]  }
0x3d: {  	_ =	shalt  }
0x3e: {  	_ =	shalt  }
0x3f: {  	_ =	shalt  }
0x40: {  	_ =	shalt  }
0x41: {  	_ =	shalt  }
0x42: {  	_ =	shalt  }
0x43: {  	_ =	shalt  }
0x44: {  	_ =	shalt  }
0x45: {  	_ =	shalt  }
0x46: {  	_ =	shalt  }
0x47: {  	_ =	shalt  }
0x48: {  	_ =	shalt  }
0x49: {  	_ =	shalt  }
0x4a: {  	_ =	shalt  }
0x4b: {  	_ =	shalt  }
0x4c: {  	_ =	shalt  }
0x4d: {  	_ =	shalt  }
0x4e: {  	_ =	shalt  }
0x4f: {  	_ =	shalt  }
0x50: {  	_ =	shalt  }
0x51: {  	_ =	shalt  }
0x52: {  	_ =	shalt  }
0x53: {  	_ =	shalt  }
0x54: {  	_ =	shalt  }
0x55: {  	_ =	shalt  }
0x56: {  	_ =	shalt  }
0x57: {  	_ =	shalt  }
0x58: {  	_ =	shalt  }
0x59: {  	_ =	shalt  }
0x5a: {  	_ =	shalt  }
0x5b: {  	_ =	shalt  }
0x5c: {  	_ =	shalt  }
0x5d: {  	_ =	shalt  }
0x5e: {  	_ =	shalt  }
0x5f: {  	_ =	shalt  }
0x60: {  	_ =	shalt  }
0x61: {  	_ =	shalt  }
0x62: {  	_ =	shalt  }
0x63: {  	_ =	shalt  }
0x64: {  	_ =	shalt  }
0x65: {  	_ =	shalt  }
0x66: {  	_ =	shalt  }
0x67: {  	_ =	shalt  }
0x68: {  	_ =	shalt  }
0x69: {  	_ =	shalt  }
0x6a: {  	_ =	shalt  }
0x6b: {  	_ =	shalt  }
0x6c: {  	_ =	shalt  }
0x6d: {  	_ =	shalt  }
0x6e: {  	_ =	shalt  }
0x6f: {  	_ =	shalt  }
0x70: {  	_ =	shalt  }
0x71: {  	_ =	shalt  }
0x72: {  	_ =	shalt  }
0x73: {  	_ =	shalt  }
0x74: {  	_ =	shalt  }
0x75: {  	_ =	shalt  }
0x76: {  	_ =	shalt  }
0x77: {  	_ =	shalt  }
0x78: {  	_ =	shalt  }
0x79: {  	_ =	shalt  }
0x7a: {  	_ =	shalt  }
0x7b: {  	_ =	shalt  }
0x7c: {  	_ =	shalt  }
0x7d: {  	_ =	shalt  }
0x7e: {  	_ =	shalt  }
0x7f: {  	_ =	shalt  }
0x80: {  	_ =	shalt  }
0x81: {  	_ =	shalt  }
0x82: {  	_ =	shalt  }
0x83: {  	_ =	shalt  }
0x84: {  	_ =	shalt  }
0x85: {  	_ =	shalt  }
0x86: {  	_ =	shalt  }
0x87: {  	_ =	shalt  }
.Lfunc_end0:
.L_simem_size_0:
called_computation_lowered:
.L_overlay_start_0:
0x88: {  	s2 =	sld [smem:$0x3FD9]  }
0x89: {  	s3 =	sld [smem:$0x3FFE];
	_ =	sdelay $0x1  }
0x8a: {  	s1 =	srdreg.scid  }
0x8b: {  	s0 =	sand.u32 $0x1, s1  }
0x8c: {  	s17 =	sshll.u32 s0, $0xA;
	s2 =	sadd.s32 s3, s2  }
0x8d: {  	s2 =	sadd.s32 s2, s17  }
0x8e: {  	[smem:$0x3FC1] =	sst s2  }
0x8f: {  	_ = 	snop  }
0x90: {  	s2 =	sld [smem:$0x3FD0];
	(tm) =	ssettm $0x1  }
0x91: {  	s18 =	sld [smem:$0x3FFB];
	_ =	sdelay $0x3  }
0x92: {  	_ =	strace s18  }
0x93: {  	s3 =	sld [smem:$0x3FFC];
	_ =	sdelay $0x3  }
0x94: {  	_ =	strace s3  }
0x95: {  	s3 =	sld [smem:$0x3FFD];
	_ =	sdelay $0x3  }
0x96: {  	_ =	strace s3  }
0x97: {  	_ =	strace $0x8FFFFFFF  }
0x98: {  	s19 =	sld [smem:$0x3FDB];
	_ =	sdelay $0x1  }
0x99: {  	s4 =	simm.s32 $_scs_section_size  }
0x9a: {  	s5 =	simm.s32 $_size__tile_overlayer_lowered;
	s6 =	simm.s32 $_tile_overlayer_lowered  }
0x9b: {  	s22 =	simm.s32 $0x1BFF;
	s21 =	sshll.u32 s6, $0x1;
	s3 =	sadd.s32 s4, s19  }
0x9c: {  	s7 =	simm.s32 $0x0;
	s20 =	sshll.u32 s5, $0x1;
	s5 =	sadd.s32 s21, s3  }
0x9d: {  	[timem:s7], [sflag:s22] =	dma.local [hbm:s5], s20  }
0x9e: {  	_ =	swait.ge [sflag:s22], s20  }
0x9f: {  	s4 =	ssub.s32 $0x0, s20;
	[sflag:s22] =	ssyncset.done $0x0  }
0xa0: {  	[sflag:s22] =	ssyncadd.s32 s4;
	_ =	sdelay $0x1  }
0xa1: {  	s23 =	simm.s32 $0x1B8B  }
0xa2: {  	_ =	swait.ge [sflag:s23], $0x1  }
0xa3: {  	[sflag:s23] =	ssyncset.done $0x0  }
0xa4: {  	s25 =	simm.s32 $0x1B8E;
	s24 =	sld [smem:$0x3FFE];
	[sflag:s23] =	ssyncadd.s32 $0xFFFFFFFF  }
0xa5: {  	s26 =	simm.s32 $execute0_lowered;
	[smem:$0x3FD2] =	sst s25  }
0xa6: {  	s5 =	sshll.u32 s26, $0x1;
	_ =	strace $0x80000046;
	[dreg:$0x1] =	wrdreg $0xFFFFFFFF  }
0xa7: {  	s28 =	simm.s32 $_size_execute0_lowered;
	s3 =	sadd.s32 s3, s5;
	[dreg:$0x0] =	wrdreg $0x0  }
0xa8: {  	s5 =	sshll.u32 s28, $0x1;
	[dreg:$0x2] =	wrdreg s3  }
0xa9: {  	[dreg:$0x3] =	wrdreg s5  }
0xaa: {  	[dreg:$0x4] =	wrdreg $0xC0  }
0xab: {  	_ =	task [dreg:s7], $0x5FFFF  }
0xac: {  	[dreg:$0x1] =	wrdreg $0xFFFFFFFF  }
0xad: {  	[dreg:$0x0] =	wrdreg $0x60  }
0xae: {  	[dreg:$0x2] =	wrdreg s24  }
0xaf: {  	[dreg:$0x3] =	wrdreg s2  }
0xb0: {  	[dreg:$0x4] =	wrdreg $0x9  }
0xb1: {  	_ =	task.clear_ibuf [dreg:s7], $0x5FFFF;
	_ =	strace $0x90000046  }
0xb2: {  	s29 =	simm.s32 $0x9;
	_ =	strace $0x80000048  }
0xb3: {  	_ =	swait.ge [sflag:s29], $0x1  }
0xb4: {  	[sflag:s29] =	ssyncadd.s32 $0xFFFFFFFF  }
0xb5: {  	_ =	strace $0x90000048  }
0xb6: {  	_ =	sfence  }
0xb7: {  	s30 =	sld [smem:$0x0];
	_ =	sdelay $0x2  }
0xb8: {  	s31 =	sshll.u32 s1, $0xD;
	s1 =	sshrl.u32 s1, $0x2  }
0xb9: {  	s3 =	sand.u32 $0x4000, s31;
	s1 =	sadd.s32 s1, s30  }
0xba: {  	s0 =	sor.u32 s3, s0;
	s1 =	sshll.u32 s1, $0x11  }
0xbb: {  	s0 =	sor.u32 s1, s0  }
0xbc: {  	s0 =	sadd.s32 $0x8F2B, s0  }
0xbd: {  	[sflag:s0] =	ssyncadd.remote.s32 $0x1  }
0xbe: {  	_ =	sfence.sel $0xFFFF  }
0xbf: {  	[dreg:$0x0] =	wrdreg $0xFFFFFFFF;
	(pc) =	sbr.abs _section_cstart, $3  }
0xc0: {  	[dreg:$0x1] =	wrdreg $0xFFFFFFFF  }
0xc1: {  	_ =	task.clear_ibuf [dreg:s7], $0x2FFFF;
	_ =	strace $0x9FFFFFFF  }
0xc2: {  	(tm) =	ssettm $0x7FFFFFFF  }
0xc3: {  	_ =	shalt  }
tec
execute0_lowered:
.L_overlay_start_1:
0x0: {  	(tag) =	ssettag $0x1  }
0x1: {  	s7 =	rddreg [dreg:$0x0]  }
0x2: {  	s2 =	rddreg [dreg:$0x1]  }
0x3: {  	s0 =	rddreg [dreg:$0x2]  }
0x4: {  	s1 =	srdreg.scid;
	_ =	strace $0x80000047;
	s4 =	simm.s32 $0x1  }
0x5: {  	s9 =	simm.s32 $0x3;
	s11 =	simm.s32 $0x0;
	s5 =	sshll.u32 s1, $0x4  }
.Ltmp0:
0x6: {  	s1 =	stileid.u32;
	s5 =	sand.u32 $0x10, s5;
	(pc) =	sbr.rel .LBB2_1-.Ltmp0, $4  }
0x7: {  	p0 =	por $0x0, $0x0;
	s3 =	sadd.s32 $0xC8A00, s7;
	s6 =	sor.u32 s1, s5  }
0x8: {  	[sflag:s4] =	ssyncpa.u1 $0x0;
	s5 =	simm.s32 $0x2;
	s6 =	sshll.u32 s6, $0x6  }
0x9: {  	s7 =	sadd.s32 $0x8800, s7;
	[sflag:s5] =	ssyncpa.u1 $0x0;
	s8 =	sadd.s32 $0x40, s6  }
0xa: {  	vm0 =	vmmov $0xff;
	vm1 =	vcmask $0x3F20;
	[sflag:s9] =	ssyncpa.u1 $0x0;
	s10 =	smov.u32 s6;
	s9 =	simm.s32 $0x0  }
.LBB2_9:
0xb: {  	p1 =	slt.u32 s9, $0x2;
	s11 =	sadd.s32 $0x20, s10  }
0xc: {  	s13 =	smov.u32 s6;
	s9 =	sadd.s32 $0x1, s9;
	p2 =	slt.s32 s11, s8  }
0xd: {  	s13 =	smov.u32 @p2 s11;
	p2 =	sne.s32 s9, $0x4  }
.Ltmp1:
0xe: {  	_ = 	snop;
	(pc) =	sbr.rel @!p2 .LBB2_10-.Ltmp1, $4  }
0xf: {  	s12 =	simm.s32 @!p1 $0x3  }
0x10: {  	_ =	swait.ge @!p1 [sflag:s12], $0x8000  }
0x11: {  	p0 =	por !p0, !p0;
	[sflag:s12] =	ssyncset.done @!p1 $0x0  }
0x12: {  	s11 =	smov.u32 s10;
	s10 =	smov.u32 s13;
	[sflag:s12] =	ssyncadd.s32 @!p1 $0xFFFF8000  }
.LBB2_1:
0x13: {  	p1 =	sgt.u32 s9, $0x1  }
0x14: {  	s12 =	sshll.u32 @!p1 s9, $0x5;
	s13 =	sshrl.u32 @!p1 s10, $0x3  }
0x15: {  	s14 =	sand.u32 @!p1 $0x7, s10;
	s12 =	sxor.u32 @!p1 $0x20, s12;
	s13 =	sadd.s32 @!p1 s7, s13  }
0x16: {  	[tilespmem:s12], [sflag:$0x2] =	stream.linear.gather @!p1 [hbm4b:s13+s14], $0x20, $0x38;
	[tilespmem:$0x10040] =	vst v63  }
0x17: {  	p1 =	seq.s32 s9, $0x0  }
0x18: {  	p2 =	seq.s32 @!p1 s9, $0x3  }
0x19: {  	p1 =	por p1, p2  }
.Ltmp2:
0x1a: {  	_ = 	snop;
	(pc) =	sbr.rel @p1 .LBB2_9-.Ltmp2, $1  }
0x1b: {  	_ =	sdelay $0x3  }
0x1c: {  	s12 =	simm.s32 $0x1  }
0x1d: {  	_ =	swait.ge [sflag:s5], $0x20;
	s13 =	sand.u32 $0x1, s9;
	s12 =	simm.s32 @!p0 $0x0  }
0x1e: {  	s15 =	simm.s32 $0x0;
	p2 =	por $0x1, $0x1;
	s12 =	sshll.u32 s12, $0x11  }
0x1f: {  	[sflag:s5] =	ssyncset.done $0x0;
	s13 =	sshll.u32 s13, $0x5;
	s14 =	sshrl.u32 s12, $0x2  }
0x20: {  	[sflag:s5] =	ssyncadd.s32 $0xFFFFFFE0;
	s12 =	sor.u32 $0x40, s14;
	s14 =	sadd.s32 $0x40, s14  }
.LBB2_3:
0x21: {  	s16 =	sshll.u32 s15, $0x4  }
0x22: {  	s16 =	sand.u32 $0x3FFFFFF0, s16  }
0x23: {  	s16 =	sadd.s32 s16, s13  }
0x24: {  	v0 =	vld.msk [tilespmem:s16+$0x0 ss:$0x1], $0xffff;
	_ =	sdelay $0x4  }
0x25: {  	vm2 =	vgt.s32 v0, $0x0  }
0x26: {  	v0 =	vnsel vm2, $0x0, v0  }
0x27: {  	v0 =	vmin.u32 v0, $0x17FF  }
0x28: {  	v1 =	vshll.u32 v0, $0x7;
	v0 =	vshll.u32 v0, $0x4  }
0x29: {  	v1 =	vand.u32 $0xFFC00, v1;
	v0 =	vand.u32 $0x70, v0  }
0x2a: {  	v0 =	vor.u32 v0, v1  }
0x2b: {  	s31 =	sshll.u32 s15, $0x10  }
0x2c: {  	s15 =	sshra.s32 s31, $0x2  }
0x2d: {  	s15 =	sadd.s32 s15, s14  }
0x2e: {  	s17 =	sadd.s32 $0x0, s15  }
0x2f: {  	[tilespmem:s17], [sflag:$0x1] =	stream.indirect_vreg.gather [hbm:s3], $0x80, v0, vm0, $0x38;
	[tilespmem:$0x10040] =	vst v63  }
0x30: {  	p1 =	por p2, p2;
	s16 =	simm.s32 $0x1000;
	v1 =	vadd.s32 $0x80, v0;
	s17 =	sadd.s32 $0x2000, s17  }
.LBB2_4:
0x31: {  	[tilespmem:s17], [sflag:$0x1] =	stream.indirect_vreg.gather [hbm:s3], $0x80, v0, vm1, $0x38;
	[tilespmem:$0x10040] =	vst v63  }
0x32: {  	v0 =	vmov v1;
	s17 =	smov.u32 s16;
	p2 =	sne.s32 s16, $0x7000  }
.Ltmp3:
0x33: {  	s16 =	sadd.s32 $0x1000, s16;
	(pc) =	sbr.rel @p2 .LBB2_4-.Ltmp3, $4  }
0x34: {  	s17 =	sshra.s32 s17, $0x2  }
0x35: {  	s17 =	sadd.s32 s17, s15  }
0x36: {  	[tilespmem:s17], [sflag:$0x1] =	stream.indirect_vreg.gather [hbm:s3], $0x80, v1, vm0, $0x38;
	[tilespmem:$0x10040] =	vst v63  }
0x37: {  	s17 =	sadd.s32 $0x2000, s17;
	v1 =	vadd.s32 $0x80, v1  }
0x38: {  	_ = 	snop  }
.Ltmp4:
0x39: {  	_ = 	snop;
	(pc) =	sbr.rel @p1 .LBB2_3-.Ltmp4, $3  }
0x3a: {  	_ =	sdelay $0x1  }
0x3b: {  	[tilespmem:s17], [sflag:$0x1] =	stream.indirect_vreg.gather [hbm:s3], $0x80, v0, vm1, $0x38;
	[tilespmem:$0x10040] =	vst v63  }
0x3c: {  	s15 =	simm.s32 $0x1;
	p2 =	por $0x0, $0x0  }
0x3d: {  	s13 =	sshll.u32 s11, $0x7  }
0x3e: {  	s31 =	sshll.u32 s11, $0x4;
	s13 =	sand.u32 $0xFFFFFC00, s13  }
0x3f: {  	_ =	swait.ge [sflag:s4], $0x8000;
	s11 =	sand.u32 $0x70, s31;
	s13 =	sadd.s32 s13, s2  }
0x40: {  	s14 =	sadd.s32 $0x2000, s12;
	[sflag:s4] =	ssyncset.done $0x0;
	s11 =	sadd.s32 s11, s13  }
0x41: {  	[sflag:s4] =	ssyncadd.s32 $0xFFFF8000;
	s13 =	simm.s32 $0x400;
	s15 =	sadd.s32 $0x0, s11  }
.LBB2_7:
0x42: {  	[hbm:s15] =	stream.linear.scatter [tilespmem:s12], [sflag:$0x3], $0x2000, $0x38;
	[tilespmem:$0x10040] =	vst v63  }
0x43: {  	s15 =	smov.u32 s13;
	s12 =	smov.u32 s14;
	p1 =	sne.s32 s13, $0xC00  }
.Ltmp5:
0x44: {  	s13 =	sadd.s32 $0x400, s13;
	(pc) =	sbr.rel @p1 .LBB2_7-.Ltmp5, $2  }
0x45: {  	_ =	sdelay $0x2  }
0x46: {  	s14 =	sadd.s32 $0x2000, s14;
	s15 =	sadd.s32 s15, s11  }
.Ltmp6:
0x47: {  	(pc) =	sbr.rel .LBB2_9-.Ltmp6, $2  }
0x48: {  	_ =	sdelay $0x2  }
0x49: {  	[hbm:s15] =	stream.linear.scatter [tilespmem:s12], [sflag:$0x3], $0x2000, $0x38;
	[tilespmem:$0x10040] =	vst v63  }
.LBB2_10:
0x4a: {  	_ =	sfence.sel $0x180000  }
0x4b: {  	s2 =	simm.s32 $0x2;
	[bflag:$0x0] =	sbarrier.arrive $0xFFFF  }
0x4c: {  	s30 =	simm.s32 $0x3;
	[sflag:s2] =	ssyncpa.u1 $0x1  }
0x4d: {  	s31 =	simm.s32 $0x1;
	[sflag:s30] =	ssyncpa.u1 $0x1  }
0x4e: {  	[sflag:s31] =	ssyncpa.u1 $0x1  }
0x4f: {  	p0 =	sne.s32 s1, $0x0;
	_ =	strace $0x90000047  }
0x50: {  	s0 =	sadd.s32 @!p0 $0x100000, s0;
	[bflag:$0x2] =	sbarrier.arrive $0xFFFF  }
0x51: {  	[sflag:s0] =	ssyncadd.tile.s32 @!p0 $0x1;
	_ =	shalt  }
.Lfunc_end2:
_tile_overlayer_lowered:
.L_overlay_start_2:
0x52: {  	(tag) =	ssettag $0x2  }
0x53: {  	s0 =	rddreg [dreg:$0x0];
	s2 =	stileid.u32  }
0x54: {  	s1 =	rddreg [dreg:$0x1];
	p0 =	sne.s32 s2, $0x0  }
0x55: {  	s3 =	rddreg [dreg:$0x2];
	[bflag:$0x3] =	sbarrier.arrive $0xFFFF;
	s2 =	simm.s32 @!p0 $0x1C01  }
0x56: {  	[timem:s3], [sflag:s2] =	dma.local @!p0 [hbm:s0], s1  }
0x57: {  	s0 =	simm.s32 @!p0 $0x1  }
0x58: {  	_ =	swait.ge @!p0 [sflag:s0], s1  }
0x59: {  	s1 =	ssub.s32 @!p0 $0x0, s1;
	[sflag:s0] =	ssyncset.done @!p0 $0x0  }
0x5a: {  	[sflag:s0] =	ssyncadd.s32 @!p0 s1  }
0x5b: {  	[bflag:$0x3] =	sbarrier.arrive $0xFFFF  }
0x5c: {  	_ =	shalt  }

</sc_bundles>
